<compile_context>
chip_gen: v7x
topology: tpu7x:2x2x1
jax: 0.10.2.dev20260603
libtpu: 0.0.44.dev20260713+nightly
codegen_flags: <defaults>
</compile_context>

<pallas_src>
import jax
import jax.numpy as jnp
from jax import lax
from jax.experimental import pallas as pl
from jax.experimental.pallas import tpu as pltpu
from jax.experimental.pallas import tpu_sc as plsc

_SEQ = 4096
_HID = 4096
_SLOTS = 64
_K = 8
_LANES = 16
_NTILES = 16
_PER_TILE = _SEQ // _NTILES
_NCHUNK = _PER_TILE // _LANES
_PACK = 2 * _LANES


def _norms_body(x_ref, o_ref):
    x = x_ref[...]
    o_ref[...] = jnp.sum(x * x, axis=1)[None, None, :]


def _tc_norms(pred2d):
    nblk = 8
    rows = _SEQ // nblk
    return pl.pallas_call(
        _norms_body,
        grid=(nblk,),
        in_specs=[pl.BlockSpec((rows, _HID), lambda i: (i, 0))],
        out_specs=pl.BlockSpec((1, 1, rows), lambda i: (i, 0, 0)),
        out_shape=jax.ShapeDtypeStruct((nblk, 1, rows), jnp.float32),
    )(pred2d)


def _merge_sorted(bk, bi, ck_s, ci_s):
    ck_r = lax.rev(ck_s, (0,))
    ci_r = lax.rev(ci_s, (0,))
    keep = bk >= ck_r
    mk = jnp.where(keep, bk, ck_r)
    mi = jnp.where(keep, bi, ci_r)
    nk, ni = plsc.sort_key_val(mk, mi, descending=True)
    return nk, ni


def _sc_body(norms_hbm, pred_hbm, states_hbm, strength_hbm,
             out_states_hbm, out_strength_hbm,
             norms_v, pack_v, packf, idx_v, rows_v, str_v, bank_v,
             sh_p, sem):
    c = lax.axis_index("c")
    s = lax.axis_index("s")

    @pl.when(c == 0)
    def _topk():
        base = pl.multiple_of(s * _PER_TILE, _PER_TILE)
        pltpu.sync_copy(norms_hbm.at[pl.ds(base, _PER_TILE)], norms_v)
        lane = lax.iota(jnp.int32, _LANES)

        def local_merge(j, carry):
            bk, bi = carry
            ck = norms_v[pl.ds(j * _LANES, _LANES)]
            ci = lane + (base + j * _LANES)
            ck_s, ci_s = plsc.sort_key_val(ck, ci, descending=True)
            return _merge_sorted(bk, bi, ck_s, ci_s)

        bk0 = jnp.full((_LANES,), -jnp.inf, jnp.float32)
        bi0 = jnp.zeros((_LANES,), jnp.int32)
        bk, bi = lax.fori_loop(0, _NCHUNK, local_merge, (bk0, bi0))
        pack_v[pl.ds(0, _LANES)] = bk
        pack_v[pl.ds(_LANES, _LANES)] = plsc.bitcast(bi, jnp.float32)
        pltpu.sync_copy(pack_v, sh_p.at[pl.ds(s * _PACK, _PACK)])
        plsc.subcore_barrier()

        @pl.when(s == 0)
        def _final():
            pltpu.sync_copy(sh_p, packf)

            def final_merge(j, carry):
                bk2, bi2 = carry
                ck_s = packf[pl.ds(j * _PACK, _LANES)]
                ci_s = plsc.bitcast(packf[pl.ds(j * _PACK + _LANES, _LANES)],
                                    jnp.int32)
                return _merge_sorted(bk2, bi2, ck_s, ci_s)

            fk, fi = lax.fori_loop(0, _NTILES, final_merge, (bk0, bi0))
            idx_v[...] = fi
            pltpu.async_copy(pred_hbm.at[idx_v.at[pl.ds(0, _K)]], rows_v,
                             sem).wait()
            pltpu.sync_copy(rows_v, out_states_hbm.at[pl.ds(0, _K)])

    @pl.when((c == 1) & (s < 14))
    def _copy_bank():
        r0 = _K + s * 4
        pltpu.sync_copy(states_hbm.at[pl.ds(r0, 4)], bank_v)
        pltpu.sync_copy(bank_v, out_states_hbm.at[pl.ds(r0, 4)])

    @pl.when((c == 1) & (s == 14))
    def _strength():
        lane = lax.iota(jnp.int32, _LANES)
        pltpu.sync_copy(strength_hbm, str_v)
        s0 = str_v[pl.ds(0, _LANES)]
        str_v[pl.ds(0, _LANES)] = jnp.where(lane < _K, jnp.float32(1.0), s0)
        pltpu.sync_copy(str_v, out_strength_hbm)


def kernel(predictions, mem_states, mem_strength, top_k):
    del top_k
    pred2d = predictions.reshape(2 * _SEQ, _HID)
    norms = _tc_norms(pred2d).reshape(_SEQ)
    sc = pl.kernel(
        _sc_body,
        mesh=plsc.VectorSubcoreMesh(core_axis_name="c", subcore_axis_name="s"),
        compiler_params=pltpu.CompilerParams(needs_layout_passes=False),
        out_type=[
            jax.ShapeDtypeStruct((_SLOTS, _HID), jnp.float32),
            jax.ShapeDtypeStruct((_SLOTS,), jnp.float32),
        ],
        scratch_types=[
            pltpu.VMEM((_PER_TILE,), jnp.float32),
            pltpu.VMEM((_PACK,), jnp.float32),
            pltpu.VMEM((_NTILES * _PACK,), jnp.float32),
            pltpu.VMEM((_LANES,), jnp.int32),
            pltpu.VMEM((_K, _HID), jnp.float32),
            pltpu.VMEM((_SLOTS,), jnp.float32),
            pltpu.VMEM((4, _HID), jnp.float32),
            pltpu.VMEM_SHARED((_NTILES * _PACK,), jnp.float32),
            pltpu.SemaphoreType.DMA,
        ],
    )
    new_states, new_strength = sc(norms, pred2d, mem_states, mem_strength)
    return new_states, new_strength

# --- scband reference (transcript-rebuilt; emitter-appended) ---
"""Pipeline reference for scband-prediction-bank-79302276153796 (READ-ONLY COPY).

The authoritative reference and input builder live on the scoring server;
editing this copy changes nothing except your own understanding.
"""

import jax, jax.numpy as jnp
import numpy as np


def setup_inputs(seed: int = 0) -> dict:
    key = jax.random.key(seed)
    predictions = jax.random.normal(jax.random.fold_in(key, 0), (2, 4096, 4096), dtype=jnp.float32)
    mem_states = jnp.zeros((64, 4096), dtype=jnp.float32)
    mem_strength = jnp.zeros((64,), dtype=jnp.float32)
    return {
        "predictions": predictions,
        "mem_states": mem_states,
        "mem_strength": mem_strength,
        "top_k": 8,
    }


def reference(predictions, mem_states, mem_strength, top_k):
    # Faithful translation of PredictionBank.store_per_position with n_stored == 0
    # (fresh bank), followed by returning the updated buffers.
    # torch: pred = predictions[0].detach()
    pred = jax.lax.stop_gradient(predictions[0])  # [seq_len, hidden]
    # torch: norms = pred.norm(dim=-1)  (L2 norm)
    norms = jnp.sqrt(jnp.sum(pred * pred, axis=-1))  # [seq_len]
    n_slots = mem_states.shape[0]
    n_stored = 0
    k = min(8, pred.shape[0], n_slots - n_stored)
    # torch: _, top_idx = norms.topk(k)
    _, top_idx = jax.lax.top_k(norms, k)  # [k]
    # torch loop: for i in range(k): mem_states[n_stored] = pred[top_idx[i]]; mem_strength[n_stored] = 1.0
    slot_idx = jnp.arange(n_stored, n_stored + k)  # sequential slots starting at n_stored
    gathered = pred[top_idx]  # gather [k, hidden]
    new_states = mem_states.at[slot_idx].set(gathered)  # scatter-overwrite
    one = jnp.asarray(top_k, mem_strength.dtype) * 0 + 1
    new_strength = mem_strength.at[slot_idx].set(one * jnp.ones((k,), dtype=mem_strength.dtype))
    return new_states, new_strength

if __name__ == "__main__":
    import jax
    _d = setup_inputs()
    print(jax.jit(kernel)(*tuple(_d.values())))

</pallas_src>

<mosaic_0001>
#map = affine_map<(d0, d1) -> (0)>
#map1 = affine_map<(d0, d1) -> (0, 0)>
module attributes {stable_mosaic.version = 14 : i64} {
  func.func @_sc_body(%arg0: i32, %arg1: i32, %arg2: memref<4096xf32, #tpu.memory_space<hbm>>, %arg3: memref<8192x4096xf32, #tpu.memory_space<hbm>>, %arg4: memref<64x4096xf32, #tpu.memory_space<hbm>>, %arg5: memref<64xf32, #tpu.memory_space<hbm>>, %arg6: memref<64x4096xf32, #tpu.memory_space<hbm>>, %arg7: memref<64xf32, #tpu.memory_space<hbm>>, %arg8: memref<256xf32, #tpu.memory_space<vmem>>, %arg9: memref<32xf32, #tpu.memory_space<vmem>>, %arg10: memref<512xf32, #tpu.memory_space<vmem>>, %arg11: memref<16xi32, #tpu.memory_space<vmem>>, %arg12: memref<8x4096xf32, #tpu.memory_space<vmem>>, %arg13: memref<64xf32, #tpu.memory_space<vmem>>, %arg14: memref<4x4096xf32, #tpu.memory_space<vmem>>, %arg15: memref<512xf32, #tpu.memory_space<vmem_shared>>, %arg16: memref<!tpu.dma_semaphore, #tpu.memory_space<semaphore_mem>>) attributes {dimension_semantics = [#tpu.dimension_semantics<core_parallel>, #tpu.dimension_semantics<subcore_parallel>], iteration_bounds = array<i64: 2, 16>, scalar_prefetch = 0 : i64, scratch_operands = 9 : i64, tpu.core_type = #tpu.core_type<sc_vector_subcore>, window_params = [{transform_indices = #map}, {transform_indices = #map1}, {transform_indices = #map1}, {transform_indices = #map}, {transform_indices = #map1}, {transform_indices = #map}]} {
    %eq3A = arith.constant 0 : i32
    %eq3A_0 = arith.cmpi eq, %arg0, %eq3A : i32
    %convert_element_type3A = arith.extui %eq3A_0 : i1 to i32
    %cond3A = arith.constant 0 : i32
    %cond3A_1 = arith.cmpi ne, %convert_element_type3A, %cond3A : i32
    scf.if %cond3A_1 {
      %mul3A = arith.constant 256 : i32
      %mul3A_16 = arith.muli %arg1, %mul3A : i32
      %multiple_of3A = tpu.assume_multiple %mul3A_16, 256 : i32
      "tpu.region"() ({
        %run_scoped3A = tpu.sem_alloc : memref<!tpu.dma_semaphore, #tpu.memory_space<semaphore_mem>>
        %dma_start3A = tpu.memref_slice %arg2[%multiple_of3A] : memref<4096xf32, #tpu.memory_space<hbm>> -> memref<256xf32, #tpu.memory_space<hbm>>
        %dma_start3A_35 = tpu.memref_slice %arg2[%multiple_of3A] : memref<4096xf32, #tpu.memory_space<hbm>> -> memref<256xf32, #tpu.memory_space<hbm>>
        tpu.enqueue_dma source(%dma_start3A_35 : memref<256xf32, #tpu.memory_space<hbm>>) target(%arg8 : memref<256xf32, #tpu.memory_space<vmem>>) target_semaphore(%run_scoped3A : memref<!tpu.dma_semaphore, #tpu.memory_space<semaphore_mem>>)
        %dma_wait3A = tpu.memref_slice %arg2[%multiple_of3A] : memref<4096xf32, #tpu.memory_space<hbm>> -> memref<256xf32, #tpu.memory_space<hbm>>
        %dma_wait3A_36 = tpu.memref_slice %arg2[%multiple_of3A] : memref<4096xf32, #tpu.memory_space<hbm>> -> memref<256xf32, #tpu.memory_space<hbm>>
        tpu.wait_dma2 semaphore(%run_scoped3A : memref<!tpu.dma_semaphore, #tpu.memory_space<semaphore_mem>>) src(%dma_wait3A_36 : memref<256xf32, #tpu.memory_space<hbm>>) dst(%arg8 : memref<256xf32, #tpu.memory_space<vmem>>)
        tpu.yield
      }) : () -> ()
      %iota3A = tpu.iota {dimensions = array<i32: 0>} : vector<16xi32>
      %broadcast_in_dim3A = arith.constant 0xFF800000 : f32
      %broadcast_in_dim3A_17 = vector.broadcast %broadcast_in_dim3A : f32 to vector<16xf32>
      %broadcast_in_dim3A_18 = arith.constant 0 : i32
      %broadcast_in_dim3A_19 = vector.broadcast %broadcast_in_dim3A_18 : i32 to vector<16xi32>
      %scan3A = arith.constant 0 : i32
      %scan3A_20 = arith.constant 16 : i32
      %scan3A_21 = arith.addi %scan3A, %scan3A_20 : i32
      %scan3A_22 = arith.constant 1 : i32
      %scan3A_23:2 = scf.for %scan3A_35 = %scan3A to %scan3A_21 step %scan3A_22 iter_args(%scan3A_36 = %broadcast_in_dim3A_17, %scan3A_37 = %broadcast_in_dim3A_19) -> (vector<16xf32>, vector<16xi32>)  : i32 {
        %mul3A_38 = arith.constant 16 : i32
        %mul3A_39 = arith.muli %scan3A_35, %mul3A_38 : i32
        %get3A = arith.index_cast %mul3A_39 : i32 to index
        %get3A_40 = tpu.vector_load %arg8[%get3A] {strides = array<i32>} : memref<256xf32, #tpu.memory_space<vmem>>, vector<16xf32>,
        %mul3A_41 = arith.constant 16 : i32
        %mul3A_42 = arith.muli %scan3A_35, %mul3A_41 : i32
        %add3A = arith.addi %multiple_of3A, %mul3A_42 : i32
        %add3A_43 = vector.broadcast %add3A : i32 to vector<16xi32>
        %add3A_44 = arith.addi %iota3A, %add3A_43 : vector<16xi32>
        %masked_sort3A = arith.constant dense<true> : vector<16xi1>
        %masked_sort3A_45, %masked_sort3A_46, %masked_sort3A_47 = tpu.sort %get3A_40, %add3A_44 masked %masked_sort3A {descending = true} : (vector<16xf32>, vector<16xi32>, vector<16xi1>) -> (vector<16xi1>, vector<16xf32>, vector<16xi32>)
        %rev3A = arith.constant 15 : i32
        %rev3A_48 = vector.broadcast %rev3A : i32 to vector<16xi32>
        %rev3A_49 = tpu.iota {dimensions = array<i32: 0>} : vector<16xi32>
        %rev3A_50 = arith.subi %rev3A_48, %rev3A_49 : vector<16xi32>
        %rev3A_51 = tpu.dynamic_gather %masked_sort3A_46[%rev3A_50] in [0] : vector<16xf32>, vector<16xi32> -> vector<16xf32>
        %rev3A_52 = arith.constant 15 : i32
        %rev3A_53 = vector.broadcast %rev3A_52 : i32 to vector<16xi32>
        %rev3A_54 = tpu.iota {dimensions = array<i32: 0>} : vector<16xi32>
        %rev3A_55 = arith.subi %rev3A_53, %rev3A_54 : vector<16xi32>
        %rev3A_56 = tpu.dynamic_gather %masked_sort3A_47[%rev3A_55] in [0] : vector<16xi32>, vector<16xi32> -> vector<16xi32>
        %ge3A = arith.cmpf oge, %scan3A_36, %rev3A_51 : vector<16xf32>
        %select_n3A = arith.select %ge3A, %scan3A_36, %rev3A_51 : vector<16xi1>, vector<16xf32>
        %select_n3A_57 = arith.select %ge3A, %scan3A_37, %rev3A_56 : vector<16xi1>, vector<16xi32>
        %masked_sort3A_58 = arith.constant dense<true> : vector<16xi1>
        %masked_sort3A_59, %masked_sort3A_60, %masked_sort3A_61 = tpu.sort %select_n3A, %select_n3A_57 masked %masked_sort3A_58 {descending = true} : (vector<16xf32>, vector<16xi32>, vector<16xi1>) -> (vector<16xi1>, vector<16xf32>, vector<16xi32>)
        scf.yield %masked_sort3A_60, %masked_sort3A_61 : vector<16xf32>, vector<16xi32>
      }
      %scan3A_24 = arith.constant 16 : i32
      %swap3A = arith.constant 0 : index
      %swap3A_25 = tpu.vector_load %arg9[%swap3A] {strides = array<i32>} : memref<32xf32, #tpu.memory_space<vmem>>, vector<16xf32>,
      tpu.vector_store %arg9[%swap3A], %scan3A_23#0 {strides = array<i32>} : memref<32xf32, #tpu.memory_space<vmem>>, vector<16xf32>,
      %bitcast3A = vector.bitcast %scan3A_23#1 : vector<16xi32> to vector<16xf32>
      %swap3A_26 = arith.constant 16 : index
      %swap3A_27 = tpu.vector_load %arg9[%swap3A_26] {strides = array<i32>} : memref<32xf32, #tpu.memory_space<vmem>>, vector<16xf32>,
      tpu.vector_store %arg9[%swap3A_26], %bitcast3A {strides = array<i32>} : memref<32xf32, #tpu.memory_space<vmem>>, vector<16xf32>,
      %mul3A_28 = arith.constant 32 : i32
      %mul3A_29 = arith.muli %arg1, %mul3A_28 : i32
      "tpu.region"() ({
        %run_scoped3A = tpu.sem_alloc : memref<!tpu.dma_semaphore, #tpu.memory_space<semaphore_mem>>
        %dma_start3A = tpu.memref_slice %arg15[%mul3A_29] : memref<512xf32, #tpu.memory_space<vmem_shared>> -> memref<32xf32, #tpu.memory_space<vmem_shared>>
        %dma_start3A_35 = tpu.memref_slice %arg15[%mul3A_29] : memref<512xf32, #tpu.memory_space<vmem_shared>> -> memref<32xf32, #tpu.memory_space<vmem_shared>>
        tpu.enqueue_dma source(%arg9 : memref<32xf32, #tpu.memory_space<vmem>>) target(%dma_start3A_35 : memref<32xf32, #tpu.memory_space<vmem_shared>>) target_semaphore(%run_scoped3A : memref<!tpu.dma_semaphore, #tpu.memory_space<semaphore_mem>>)
        %dma_wait3A = tpu.memref_slice %arg15[%mul3A_29] : memref<512xf32, #tpu.memory_space<vmem_shared>> -> memref<32xf32, #tpu.memory_space<vmem_shared>>
        %dma_wait3A_36 = tpu.memref_slice %arg15[%mul3A_29] : memref<512xf32, #tpu.memory_space<vmem_shared>> -> memref<32xf32, #tpu.memory_space<vmem_shared>>
        tpu.wait_dma2 semaphore(%run_scoped3A : memref<!tpu.dma_semaphore, #tpu.memory_space<semaphore_mem>>) src(%arg9 : memref<32xf32, #tpu.memory_space<vmem>>) dst(%dma_wait3A_36 : memref<32xf32, #tpu.memory_space<vmem_shared>>)
        tpu.yield
      }) : () -> ()
      %barrier3A = arith.constant 0 : index
      tpu.barrier barrier_id(%barrier3A)
      %eq3A_30 = arith.constant 0 : i32
      %eq3A_31 = arith.cmpi eq, %arg1, %eq3A_30 : i32
      %convert_element_type3A_32 = arith.extui %eq3A_31 : i1 to i32
      %cond3A_33 = arith.constant 0 : i32
      %cond3A_34 = arith.cmpi ne, %convert_element_type3A_32, %cond3A_33 : i32
      scf.if %cond3A_34 {
        "tpu.region"() ({
          %run_scoped3A = tpu.sem_alloc : memref<!tpu.dma_semaphore, #tpu.memory_space<semaphore_mem>>
          tpu.enqueue_dma source(%arg15 : memref<512xf32, #tpu.memory_space<vmem_shared>>) target(%arg10 : memref<512xf32, #tpu.memory_space<vmem>>) target_semaphore(%run_scoped3A : memref<!tpu.dma_semaphore, #tpu.memory_space<semaphore_mem>>)
          tpu.wait_dma2 semaphore(%run_scoped3A : memref<!tpu.dma_semaphore, #tpu.memory_space<semaphore_mem>>) src(%arg15 : memref<512xf32, #tpu.memory_space<vmem_shared>>) dst(%arg10 : memref<512xf32, #tpu.memory_space<vmem>>)
          tpu.yield
        }) : () -> ()
        %scan3A_35 = arith.constant 0 : i32
        %scan3A_36 = arith.constant 16 : i32
        %scan3A_37 = arith.addi %scan3A_35, %scan3A_36 : i32
        %scan3A_38 = arith.constant 1 : i32
        %scan3A_39:2 = scf.for %scan3A_51 = %scan3A_35 to %scan3A_37 step %scan3A_38 iter_args(%scan3A_52 = %broadcast_in_dim3A_17, %scan3A_53 = %broadcast_in_dim3A_19) -> (vector<16xf32>, vector<16xi32>)  : i32 {
          %mul3A_54 = arith.constant 32 : i32
          %mul3A_55 = arith.muli %scan3A_51, %mul3A_54 : i32
          %get3A = arith.index_cast %mul3A_55 : i32 to index
          %get3A_56 = tpu.vector_load %arg10[%get3A] {strides = array<i32>} : memref<512xf32, #tpu.memory_space<vmem>>, vector<16xf32>,
          %mul3A_57 = arith.constant 32 : i32
          %mul3A_58 = arith.muli %scan3A_51, %mul3A_57 : i32
          %add3A = arith.constant 16 : i32
          %add3A_59 = arith.addi %mul3A_58, %add3A : i32
          %get3A_60 = arith.index_cast %add3A_59 : i32 to index
          %get3A_61 = tpu.vector_load %arg10[%get3A_60] {strides = array<i32>} : memref<512xf32, #tpu.memory_space<vmem>>, vector<16xf32>,
          %bitcast3A_62 = vector.bitcast %get3A_61 : vector<16xf32> to vector<16xi32>
          %rev3A = arith.constant 15 : i32
          %rev3A_63 = vector.broadcast %rev3A : i32 to vector<16xi32>
          %rev3A_64 = tpu.iota {dimensions = array<i32: 0>} : vector<16xi32>
          %rev3A_65 = arith.subi %rev3A_63, %rev3A_64 : vector<16xi32>
          %rev3A_66 = tpu.dynamic_gather %get3A_56[%rev3A_65] in [0] : vector<16xf32>, vector<16xi32> -> vector<16xf32>
          %rev3A_67 = arith.constant 15 : i32
          %rev3A_68 = vector.broadcast %rev3A_67 : i32 to vector<16xi32>
          %rev3A_69 = tpu.iota {dimensions = array<i32: 0>} : vector<16xi32>
          %rev3A_70 = arith.subi %rev3A_68, %rev3A_69 : vector<16xi32>
          %rev3A_71 = tpu.dynamic_gather %bitcast3A_62[%rev3A_70] in [0] : vector<16xi32>, vector<16xi32> -> vector<16xi32>
          %ge3A = arith.cmpf oge, %scan3A_52, %rev3A_66 : vector<16xf32>
          %select_n3A = arith.select %ge3A, %scan3A_52, %rev3A_66 : vector<16xi1>, vector<16xf32>
          %select_n3A_72 = arith.select %ge3A, %scan3A_53, %rev3A_71 : vector<16xi1>, vector<16xi32>
          %masked_sort3A = arith.constant dense<true> : vector<16xi1>
          %masked_sort3A_73, %masked_sort3A_74, %masked_sort3A_75 = tpu.sort %select_n3A, %select_n3A_72 masked %masked_sort3A {descending = true} : (vector<16xf32>, vector<16xi32>, vector<16xi1>) -> (vector<16xi1>, vector<16xf32>, vector<16xi32>)
          scf.yield %masked_sort3A_74, %masked_sort3A_75 : vector<16xf32>, vector<16xi32>
        }
        %scan3A_40 = arith.constant 16 : i32
        %swap3A_41 = arith.constant 0 : index
        %swap3A_42 = tpu.vector_load %arg11[%swap3A_41] {strides = array<i32>} : memref<16xi32, #tpu.memory_space<vmem>>, vector<16xi32>,
        tpu.vector_store %arg11[%swap3A_41], %scan3A_39#1 {strides = array<i32>} : memref<16xi32, #tpu.memory_space<vmem>>, vector<16xi32>,
        %dma_start3A = arith.constant 0 : i32
        %dma_start3A_43 = tpu.memref_slice %arg11[%dma_start3A] : memref<16xi32, #tpu.memory_space<vmem>> -> memref<8xi32, #tpu.memory_space<vmem>>
        %dma_start3A_44 = arith.constant 0 : i32
        %dma_start3A_45 = arith.constant 0 : i32
        %dma_start3A_46 = tpu.memref_slice %arg3[%dma_start3A_44, %dma_start3A_45] : memref<8192x4096xf32, #tpu.memory_space<hbm>> -> memref<8192x4096xf32, #tpu.memory_space<hbm>>
        tpu.enqueue_indirect_dma source(%dma_start3A_46 : memref<8192x4096xf32, #tpu.memory_space<hbm>>) target(%arg12 : memref<8x4096xf32, #tpu.memory_space<vmem>>) offsets(%dma_start3A_43 : memref<8xi32, #tpu.memory_space<vmem>>) semaphore(%arg16 : memref<!tpu.dma_semaphore, #tpu.memory_space<semaphore_mem>>)
        %dma_wait3A = arith.constant 0 : i32
        %dma_wait3A_47 = tpu.memref_slice %arg11[%dma_wait3A] : memref<16xi32, #tpu.memory_space<vmem>> -> memref<8xi32, #tpu.memory_space<vmem>>
        %dma_wait3A_48 = arith.constant 0 : i32
        %dma_wait3A_49 = arith.constant 0 : i32
        %dma_wait3A_50 = tpu.memref_slice %arg3[%dma_wait3A_48, %dma_wait3A_49] : memref<8192x4096xf32, #tpu.memory_space<hbm>> -> memref<8192x4096xf32, #tpu.memory_space<hbm>>
        tpu.wait_indirect_dma semaphore(%arg16 : memref<!tpu.dma_semaphore, #tpu.memory_space<semaphore_mem>>) src(%dma_wait3A_50 : memref<8192x4096xf32, #tpu.memory_space<hbm>>) dst(%arg12 : memref<8x4096xf32, #tpu.memory_space<vmem>>)
        "tpu.region"() ({
          %run_scoped3A = tpu.sem_alloc : memref<!tpu.dma_semaphore, #tpu.memory_space<semaphore_mem>>
          %dma_start3A_51 = arith.constant 0 : i32
          %dma_start3A_52 = arith.constant 0 : i32
          %dma_start3A_53 = tpu.memref_slice %arg6[%dma_start3A_51, %dma_start3A_52] : memref<64x4096xf32, #tpu.memory_space<hbm>> -> memref<8x4096xf32, #tpu.memory_space<hbm>>
          %dma_start3A_54 = arith.constant 0 : i32
          %dma_start3A_55 = arith.constant 0 : i32
          %dma_start3A_56 = tpu.memref_slice %arg6[%dma_start3A_54, %dma_start3A_55] : memref<64x4096xf32, #tpu.memory_space<hbm>> -> memref<8x4096xf32, #tpu.memory_space<hbm>>
          tpu.enqueue_dma source(%arg12 : memref<8x4096xf32, #tpu.memory_space<vmem>>) target(%dma_start3A_56 : memref<8x4096xf32, #tpu.memory_space<hbm>>) target_semaphore(%run_scoped3A : memref<!tpu.dma_semaphore, #tpu.memory_space<semaphore_mem>>)
          %dma_wait3A_57 = arith.constant 0 : i32
          %dma_wait3A_58 = arith.constant 0 : i32
          %dma_wait3A_59 = tpu.memref_slice %arg6[%dma_wait3A_57, %dma_wait3A_58] : memref<64x4096xf32, #tpu.memory_space<hbm>> -> memref<8x4096xf32, #tpu.memory_space<hbm>>
          %dma_wait3A_60 = arith.constant 0 : i32
          %dma_wait3A_61 = arith.constant 0 : i32
          %dma_wait3A_62 = tpu.memref_slice %arg6[%dma_wait3A_60, %dma_wait3A_61] : memref<64x4096xf32, #tpu.memory_space<hbm>> -> memref<8x4096xf32, #tpu.memory_space<hbm>>
          tpu.wait_dma2 semaphore(%run_scoped3A : memref<!tpu.dma_semaphore, #tpu.memory_space<semaphore_mem>>) src(%arg12 : memref<8x4096xf32, #tpu.memory_space<vmem>>) dst(%dma_wait3A_62 : memref<8x4096xf32, #tpu.memory_space<hbm>>)
          tpu.yield
        }) : () -> ()
      } else {
      }
    } else {
    }
    %eq3A_2 = arith.constant 1 : i32
    %eq3A_3 = arith.cmpi eq, %arg0, %eq3A_2 : i32
    %lt3A = arith.constant 14 : i32
    %lt3A_4 = arith.cmpi slt, %arg1, %lt3A : i32
    %and3A = arith.andi %eq3A_3, %lt3A_4 : i1
    %convert_element_type3A_5 = arith.extui %and3A : i1 to i32
    %cond3A_6 = arith.constant 0 : i32
    %cond3A_7 = arith.cmpi ne, %convert_element_type3A_5, %cond3A_6 : i32
    scf.if %cond3A_7 {
      %mul3A = arith.constant 4 : i32
      %mul3A_16 = arith.muli %arg1, %mul3A : i32
      %add3A = arith.constant 8 : i32
      %add3A_17 = arith.addi %add3A, %mul3A_16 : i32
      "tpu.region"() ({
        %run_scoped3A = tpu.sem_alloc : memref<!tpu.dma_semaphore, #tpu.memory_space<semaphore_mem>>
        %dma_start3A = arith.constant 0 : i32
        %dma_start3A_18 = tpu.memref_slice %arg4[%add3A_17, %dma_start3A] : memref<64x4096xf32, #tpu.memory_space<hbm>> -> memref<4x4096xf32, #tpu.memory_space<hbm>>
        %dma_start3A_19 = arith.constant 0 : i32
        %dma_start3A_20 = tpu.memref_slice %arg4[%add3A_17, %dma_start3A_19] : memref<64x4096xf32, #tpu.memory_space<hbm>> -> memref<4x4096xf32, #tpu.memory_space<hbm>>
        tpu.enqueue_dma source(%dma_start3A_20 : memref<4x4096xf32, #tpu.memory_space<hbm>>) target(%arg14 : memref<4x4096xf32, #tpu.memory_space<vmem>>) target_semaphore(%run_scoped3A : memref<!tpu.dma_semaphore, #tpu.memory_space<semaphore_mem>>)
        %dma_wait3A = arith.constant 0 : i32
        %dma_wait3A_21 = tpu.memref_slice %arg4[%add3A_17, %dma_wait3A] : memref<64x4096xf32, #tpu.memory_space<hbm>> -> memref<4x4096xf32, #tpu.memory_space<hbm>>
        %dma_wait3A_22 = arith.constant 0 : i32
        %dma_wait3A_23 = tpu.memref_slice %arg4[%add3A_17, %dma_wait3A_22] : memref<64x4096xf32, #tpu.memory_space<hbm>> -> memref<4x4096xf32, #tpu.memory_space<hbm>>
        tpu.wait_dma2 semaphore(%run_scoped3A : memref<!tpu.dma_semaphore, #tpu.memory_space<semaphore_mem>>) src(%dma_wait3A_23 : memref<4x4096xf32, #tpu.memory_space<hbm>>) dst(%arg14 : memref<4x4096xf32, #tpu.memory_space<vmem>>)
        tpu.yield
      }) : () -> ()
      "tpu.region"() ({
        %run_scoped3A = tpu.sem_alloc : memref<!tpu.dma_semaphore, #tpu.memory_space<semaphore_mem>>
        %dma_start3A = arith.constant 0 : i32
        %dma_start3A_18 = tpu.memref_slice %arg6[%add3A_17, %dma_start3A] : memref<64x4096xf32, #tpu.memory_space<hbm>> -> memref<4x4096xf32, #tpu.memory_space<hbm>>
        %dma_start3A_19 = arith.constant 0 : i32
        %dma_start3A_20 = tpu.memref_slice %arg6[%add3A_17, %dma_start3A_19] : memref<64x4096xf32, #tpu.memory_space<hbm>> -> memref<4x4096xf32, #tpu.memory_space<hbm>>
        tpu.enqueue_dma source(%arg14 : memref<4x4096xf32, #tpu.memory_space<vmem>>) target(%dma_start3A_20 : memref<4x4096xf32, #tpu.memory_space<hbm>>) target_semaphore(%run_scoped3A : memref<!tpu.dma_semaphore, #tpu.memory_space<semaphore_mem>>)
        %dma_wait3A = arith.constant 0 : i32
        %dma_wait3A_21 = tpu.memref_slice %arg6[%add3A_17, %dma_wait3A] : memref<64x4096xf32, #tpu.memory_space<hbm>> -> memref<4x4096xf32, #tpu.memory_space<hbm>>
        %dma_wait3A_22 = arith.constant 0 : i32
        %dma_wait3A_23 = tpu.memref_slice %arg6[%add3A_17, %dma_wait3A_22] : memref<64x4096xf32, #tpu.memory_space<hbm>> -> memref<4x4096xf32, #tpu.memory_space<hbm>>
        tpu.wait_dma2 semaphore(%run_scoped3A : memref<!tpu.dma_semaphore, #tpu.memory_space<semaphore_mem>>) src(%arg14 : memref<4x4096xf32, #tpu.memory_space<vmem>>) dst(%dma_wait3A_23 : memref<4x4096xf32, #tpu.memory_space<hbm>>)
        tpu.yield
      }) : () -> ()
    } else {
    }
    %eq3A_8 = arith.constant 1 : i32
    %eq3A_9 = arith.cmpi eq, %arg0, %eq3A_8 : i32
    %eq3A_10 = arith.constant 14 : i32
    %eq3A_11 = arith.cmpi eq, %arg1, %eq3A_10 : i32
    %and3A_12 = arith.andi %eq3A_9, %eq3A_11 : i1
    %convert_element_type3A_13 = arith.extui %and3A_12 : i1 to i32
    %cond3A_14 = arith.constant 0 : i32
    %cond3A_15 = arith.cmpi ne, %convert_element_type3A_13, %cond3A_14 : i32
    scf.if %cond3A_15 {
      %iota3A = tpu.iota {dimensions = array<i32: 0>} : vector<16xi32>
      "tpu.region"() ({
        %run_scoped3A = tpu.sem_alloc : memref<!tpu.dma_semaphore, #tpu.memory_space<semaphore_mem>>
        tpu.enqueue_dma source(%arg5 : memref<64xf32, #tpu.memory_space<hbm>>) target(%arg13 : memref<64xf32, #tpu.memory_space<vmem>>) target_semaphore(%run_scoped3A : memref<!tpu.dma_semaphore, #tpu.memory_space<semaphore_mem>>)
        tpu.wait_dma2 semaphore(%run_scoped3A : memref<!tpu.dma_semaphore, #tpu.memory_space<semaphore_mem>>) src(%arg5 : memref<64xf32, #tpu.memory_space<hbm>>) dst(%arg13 : memref<64xf32, #tpu.memory_space<vmem>>)
        tpu.yield
      }) : () -> ()
      %get3A = arith.constant 0 : index
      %get3A_16 = tpu.vector_load %arg13[%get3A] {strides = array<i32>} : memref<64xf32, #tpu.memory_space<vmem>>, vector<16xf32>,
      %lt3A_17 = arith.constant 8 : i32
      %lt3A_18 = vector.broadcast %lt3A_17 : i32 to vector<16xi32>
      %lt3A_19 = arith.cmpi slt, %iota3A, %lt3A_18 : vector<16xi32>
      %jit3A = arith.constant 1.000000e+00 : f32
      %broadcast_in_dim3A = vector.broadcast %jit3A : f32 to vector<16xf32>
      %select_n3A = arith.select %lt3A_19, %broadcast_in_dim3A, %get3A_16 : vector<16xi1>, vector<16xf32>
      %swap3A = arith.constant 0 : index
      %swap3A_20 = tpu.vector_load %arg13[%swap3A] {strides = array<i32>} : memref<64xf32, #tpu.memory_space<vmem>>, vector<16xf32>,
      tpu.vector_store %arg13[%swap3A], %select_n3A {strides = array<i32>} : memref<64xf32, #tpu.memory_space<vmem>>, vector<16xf32>,
      "tpu.region"() ({
        %run_scoped3A = tpu.sem_alloc : memref<!tpu.dma_semaphore, #tpu.memory_space<semaphore_mem>>
        tpu.enqueue_dma source(%arg13 : memref<64xf32, #tpu.memory_space<vmem>>) target(%arg7 : memref<64xf32, #tpu.memory_space<hbm>>) target_semaphore(%run_scoped3A : memref<!tpu.dma_semaphore, #tpu.memory_space<semaphore_mem>>)
        tpu.wait_dma2 semaphore(%run_scoped3A : memref<!tpu.dma_semaphore, #tpu.memory_space<semaphore_mem>>) src(%arg13 : memref<64xf32, #tpu.memory_space<vmem>>) dst(%arg7 : memref<64xf32, #tpu.memory_space<hbm>>)
        tpu.yield
      }) : () -> ()
    } else {
    }
    return
  }
}

module attributes {stable_mosaic.version = 14 : i64} {
  func.func @_norms_body(%arg0: i32, %arg1: memref<512x4096xf32, #tpu.memory_space<vmem>>, %arg2: memref<1x1x512xf32, #tpu.memory_space<vmem>>) attributes {dimension_semantics = [#tpu.dimension_semantics<arbitrary>], iteration_bounds = array<i64: 8>, scalar_prefetch = 0 : i64, scratch_operands = 0 : i64, tpu.core_type = #tpu.core_type<tc>, window_params = [{transform_indices = @transform_0, window_bounds = array<i64: 512, 4096>}, {transform_indices = @transform_1, window_bounds = array<i64: 1, 1, 512>}]} {
    %get3A = arith.constant 0 : index
    %get3A_0 = arith.constant 0 : index
    %get3A_1 = vector.load %arg1[%get3A, %get3A_0] : memref<512x4096xf32, #tpu.memory_space<vmem>>, vector<512x4096xf32>
    %mul3A = arith.mulf %get3A_1, %get3A_1 : vector<512x4096xf32>
    %reduce_sum3A = arith.constant dense<0.000000e+00> : vector<512xf32>
    %reduce_sum3A_2 = vector.multi_reduction <add>, %mul3A, %reduce_sum3A [1] : vector<512x4096xf32> to vector<512xf32>
    %broadcast_in_dim3A = vector.shape_cast %reduce_sum3A_2 : vector<512xf32> to vector<1x1x512xf32>
    %swap3A = arith.constant 0 : index
    %swap3A_3 = arith.constant 0 : index
    %swap3A_4 = arith.constant 0 : index
    %swap3A_5 = vector.load %arg2[%swap3A, %swap3A_3, %swap3A_4] : memref<1x1x512xf32, #tpu.memory_space<vmem>>, vector<1x1x512xf32>
    tpu.vector_store %arg2[%swap3A, %swap3A_3, %swap3A_4], %broadcast_in_dim3A {strides = array<i32>} : memref<1x1x512xf32, #tpu.memory_space<vmem>>, vector<1x1x512xf32>,
    return
  }
  func.func @transform_0(%arg0: i32) -> (i32, i32) {
    %c0_i32 = arith.constant 0 : i32
    %c0_i32_0 = arith.constant 0 : i32
    return %arg0, %c0_i32 : i32, i32
  }
  func.func @transform_1(%arg0: i32) -> (i32, i32, i32) {
    %c0_i32 = arith.constant 0 : i32
    %c0_i32_0 = arith.constant 0 : i32
    %c0_i32_1 = arith.constant 0 : i32
    return %arg0, %c0_i32, %c0_i32_0 : i32, i32, i32
  }
}

</mosaic_0001>

<sc_bundles>
// kernel: kernel.4.cloned.1.call-start
scs
__scs_entry_jumppad:
0x0: {  	(pc) =	sbr.rel $0x88, $3  }
0x1: {  	(tag) =	ssettag $0x0;
	lr =	simm.s32 $0x1  }
0x2: {  	[smem:$0x3F9E] =	sst lr;
	_ =	strace $0xD0000000  }
0x3: {  	_ = 	snop  }
0x4: {  	_ = 	snop  }
0x5: {  	_ = 	snop  }
0x6: {  	_ = 	snop  }
0x7: {  	_ = 	snop  }
__scs_overlays_trampoline_lowered:
0x8: {  	[smem:$0x3FAD] =	sst s0  }
0x9: {  	[smem:$0x3FAE] =	sst s1  }
0xa: {  	[smem:$0x3FAF] =	sst s2  }
0xb: {  	[smem:$0x3FB0] =	sst s3  }
0xc: {  	[smem:$0x3FB1] =	sst s4  }
0xd: {  	[smem:$0x3FB2] =	sst s5  }
0xe: {  	[smem:$0x3FB3] =	sst s6  }
0xf: {  	[smem:$0x3FB4] =	sst s7  }
0x10: {  	[smem:$0x3FB5] =	sst s8  }
0x11: {  	[smem:$0x3FB6] =	sst s9;
	s0 =	simm.s32 @!p0 $0x0  }
0x12: {  	s1 =	sld [smem:$0x3F9C];
	s0 =	simm.s32 @p0 $0x1  }
0x13: {  	[smem:$0x3FB7] =	sst s0;
	s0 =	simm.s32 @!p1 $0x0  }
0x14: {  	s2 =	sld [smem:$0x3F9B];
	s0 =	simm.s32 @p1 $0x1  }
0x15: {  	[smem:$0x3FB8] =	sst s0;
	s0 =	simm.s32 @!p2 $0x0  }
0x16: {  	s3 =	sld [smem:$0x3FDB];
	s0 =	simm.s32 @p2 $0x1  }
0x17: {  	s4 =	simm.s32 $0x1BF5;
	[smem:$0x3FBA] =	sst s0  }
0x18: {  	s0 =	sld [smem:$0x3F9D];
	_ =	swait.ge [sflag:s4], $0x0  }
0x19: {  	s7 =	sld [smem:$0x3F9E]  }
0x1a: {  	s8 =	sadd.s32 $0xFFFFE003, lr  }
0x1b: {  	s9 =	sadd.s32 $0xFFFFFEF7, lr;
	s5 =	simm.s32 $0xFFFFFFFF;
	p2 =	slt.u32 s8, $0xFFFFF086  }
0x1c: {  	p1 =	slt.u32 s9, $0xF7A;
	s5 =	simm.s32 @!p2 $0x0  }
0x1d: {  	s5 =	simm.s32 @p1 $0x1;
	p0 =	seq.s32 s7, s2  }
0x1e: {  	s7 =	smul.u32 @!p0 $0xF7A, s2;
	p2 =	seq.s32 @!p0 s5, $0x0  }
0x1f: {  	s9 =	smul.u32 $0xF7A, s1;
	s8 =	simm.s32 @!p0 $0x1BF5;
	p2 =	por !p2, p0  }
0x20: {  	[sflag:s8] =	ssyncset.s32 @!p0 $0xFFFFF086;
	s6 =	sadd.s32 @!p0 s3, s7;
	s7 =	simm.s32 @!p0 $0x108  }
0x21: {  	s3 =	sadd.s32 s3, s9;
	s6 =	sadd.s32 @!p0 $0x88, s6;
	s7 =	simm.s32 @p2 $0x1082  }
0x22: {  	[simem:s7], [sflag:s8] =	dma.local @!p0 [hbm:s6], $0xF7A  }
0x23: {  	s9 =	sor.u32 $0xD0000000, s2;
	s6 =	simm.s32 $0x108;
	_ =	swait.ge @!p0 [sflag:s8], $0x0  }
0x24: {  	s3 =	sadd.s32 $0x88, s3;
	s6 =	simm.s32 @!p1 $0x1082;
	[sflag:s4] =	ssyncset.s32 $0xFFFFF086  }
0x25: {  	[simem:s6], [sflag:s4] =	dma.local [hbm:s3], $0xF7A  }
0x26: {  	[smem:$0x3F9E] =	sst s1;
	(tag) =	ssettag s2;
	_ =	strace s9  }
0x27: {  	s1 =	sld [smem:$0x3FAE]  }
0x28: {  	s2 =	sld [smem:$0x3FAF]  }
0x29: {  	s4 =	sld [smem:$0x3FB1]  }
0x2a: {  	p0 =	seq.s32 s5, $0x0;
	s5 =	sld [smem:$0x3FB2]  }
0x2b: {  	s6 =	sld [smem:$0x3FB3]  }
0x2c: {  	s7 =	sld [smem:$0x3FB4]  }
0x2d: {  	s3 =	simm.s32 $0x108;
	s8 =	sld [smem:$0x3FB5]  }
0x2e: {  	s3 =	simm.s32 @!p0 $0x1082;
	s9 =	sld [smem:$0x3FB6]  }
0x2f: {  	lr =	sadd.s32 s0, s3;
	s0 =	sld [smem:$0x3FAD]  }
0x30: {  	s3 =	sld [smem:$0x3FB0]  }
0x31: {  	[smem:$0x3FB9] =	sst s10  }
0x32: {  	s10 =	sld [smem:$0x3FB7];
	_ =	sdelay $0x3  }
0x33: {  	p0 =	seq.s32 s10, $0x1;
	s10 =	sld [smem:$0x3FB9];
	_ =	sdelay $0x3  }
0x34: {  	[smem:$0x3FB9] =	sst s10  }
0x35: {  	s10 =	sld [smem:$0x3FB8];
	_ =	sdelay $0x3  }
0x36: {  	p1 =	seq.s32 s10, $0x1;
	s10 =	sld [smem:$0x3FB9];
	_ =	sdelay $0x3  }
0x37: {  	[smem:$0x3FB9] =	sst s10  }
0x38: {  	s10 =	sld [smem:$0x3FBA]  }
0x39: {  	_ = 	snop;
	(pc) =	sbr.ind lr, $3  }
0x3a: {  	_ = 	snop  }
0x3b: {  	_ = 	snop  }
0x3c: {  	p2 =	seq.s32 s10, $0x1;
	s10 =	sld [smem:$0x3FB9]  }
0x3d: {  	_ =	shalt  }
0x3e: {  	_ =	shalt  }
0x3f: {  	_ =	shalt  }
0x40: {  	_ =	shalt  }
0x41: {  	_ =	shalt  }
0x42: {  	_ =	shalt  }
0x43: {  	_ =	shalt  }
0x44: {  	_ =	shalt  }
0x45: {  	_ =	shalt  }
0x46: {  	_ =	shalt  }
0x47: {  	_ =	shalt  }
0x48: {  	_ =	shalt  }
0x49: {  	_ =	shalt  }
0x4a: {  	_ =	shalt  }
0x4b: {  	_ =	shalt  }
0x4c: {  	_ =	shalt  }
0x4d: {  	_ =	shalt  }
0x4e: {  	_ =	shalt  }
0x4f: {  	_ =	shalt  }
0x50: {  	_ =	shalt  }
0x51: {  	_ =	shalt  }
0x52: {  	_ =	shalt  }
0x53: {  	_ =	shalt  }
0x54: {  	_ =	shalt  }
0x55: {  	_ =	shalt  }
0x56: {  	_ =	shalt  }
0x57: {  	_ =	shalt  }
0x58: {  	_ =	shalt  }
0x59: {  	_ =	shalt  }
0x5a: {  	_ =	shalt  }
0x5b: {  	_ =	shalt  }
0x5c: {  	_ =	shalt  }
0x5d: {  	_ =	shalt  }
0x5e: {  	_ =	shalt  }
0x5f: {  	_ =	shalt  }
0x60: {  	_ =	shalt  }
0x61: {  	_ =	shalt  }
0x62: {  	_ =	shalt  }
0x63: {  	_ =	shalt  }
0x64: {  	_ =	shalt  }
0x65: {  	_ =	shalt  }
0x66: {  	_ =	shalt  }
0x67: {  	_ =	shalt  }
0x68: {  	_ =	shalt  }
0x69: {  	_ =	shalt  }
0x6a: {  	_ =	shalt  }
0x6b: {  	_ =	shalt  }
0x6c: {  	_ =	shalt  }
0x6d: {  	_ =	shalt  }
0x6e: {  	_ =	shalt  }
0x6f: {  	_ =	shalt  }
0x70: {  	_ =	shalt  }
0x71: {  	_ =	shalt  }
0x72: {  	_ =	shalt  }
0x73: {  	_ =	shalt  }
0x74: {  	_ =	shalt  }
0x75: {  	_ =	shalt  }
0x76: {  	_ =	shalt  }
0x77: {  	_ =	shalt  }
0x78: {  	_ =	shalt  }
0x79: {  	_ =	shalt  }
0x7a: {  	_ =	shalt  }
0x7b: {  	_ =	shalt  }
0x7c: {  	_ =	shalt  }
0x7d: {  	_ =	shalt  }
0x7e: {  	_ =	shalt  }
0x7f: {  	_ =	shalt  }
0x80: {  	_ =	shalt  }
0x81: {  	_ =	shalt  }
0x82: {  	_ =	shalt  }
0x83: {  	_ =	shalt  }
0x84: {  	_ =	shalt  }
0x85: {  	_ =	shalt  }
0x86: {  	_ =	shalt  }
0x87: {  	_ =	shalt  }
.Lfunc_end0:
.L_simem_size_0:
called_computation_lowered:
.L_overlay_start_0:
0x88: {  	s2 =	sld [smem:$0x3FD9]  }
0x89: {  	s3 =	sld [smem:$0x3FFE];
	_ =	sdelay $0x1  }
0x8a: {  	s1 =	srdreg.scid  }
0x8b: {  	s0 =	sand.u32 $0x1, s1  }
0x8c: {  	s14 =	sshll.u32 s0, $0xA;
	s2 =	sadd.s32 s3, s2  }
0x8d: {  	s2 =	sadd.s32 s2, s14  }
0x8e: {  	[smem:$0x3FC5] =	sst s2  }
0x8f: {  	_ = 	snop  }
0x90: {  	s2 =	sld [smem:$0x3FD0]  }
0x91: {  	s15 =	sld [smem:$0x3FC9]  }
0x92: {  	s4 =	sld [smem:$0x3FC8]  }
0x93: {  	s6 =	simm.s32 $0xA;
	s7 =	simm.s32 $0x10;
	s5 =	sld [smem:$0x3FC7]  }
0x94: {  	[smem:s7], [sflag:s6] =	dma.local [hbm:s2], $0x1  }
0x95: {  	_ =	swait.eq [sflag:s6], $0x1  }
0x96: {  	[sflag:s6] =	ssyncset.done $0x0  }
0x97: {  	s16 =	sld [smem:$0x10];
	[sflag:s6] =	ssyncadd.s32 $0xFFFFFFFF  }
0x98: {  	s17 =	sld [smem:$0x11];
	(tm) =	ssettm $0x1  }
0x99: {  	s18 =	sld [smem:$0x3FFB];
	_ =	sdelay $0x3  }
0x9a: {  	_ =	strace s18  }
0x9b: {  	s7 =	sld [smem:$0x3FFC];
	_ =	sdelay $0x3  }
0x9c: {  	_ =	strace s7  }
0x9d: {  	s7 =	sld [smem:$0x3FFD];
	_ =	sdelay $0x3  }
0x9e: {  	_ =	strace s7  }
0x9f: {  	_ =	strace $0x8FFFFFFF  }
0xa0: {  	s19 =	sld [smem:$0x3FDB];
	_ =	sdelay $0x1  }
0xa1: {  	s8 =	simm.s32 $_scs_section_size  }
0xa2: {  	s9 =	simm.s32 $_size__tile_overlayer_lowered;
	s10 =	simm.s32 $_tile_overlayer_lowered  }
0xa3: {  	s22 =	simm.s32 $0x1BFF;
	s21 =	sshll.u32 s10, $0x1;
	s7 =	sadd.s32 s8, s19  }
0xa4: {  	s11 =	simm.s32 $0x0;
	s20 =	sshll.u32 s9, $0x1;
	s9 =	sadd.s32 s21, s7  }
0xa5: {  	[timem:s11], [sflag:s22] =	dma.local [hbm:s9], s20  }
0xa6: {  	_ =	swait.ge [sflag:s22], s20  }
0xa7: {  	s8 =	ssub.s32 $0x0, s20;
	[sflag:s22] =	ssyncset.done $0x0  }
0xa8: {  	[sflag:s22] =	ssyncadd.s32 s8;
	_ =	sdelay $0x1  }
0xa9: {  	s23 =	simm.s32 $0x1B8B  }
0xaa: {  	_ =	swait.ge [sflag:s23], $0x1  }
0xab: {  	[sflag:s23] =	ssyncset.done $0x0  }
0xac: {  	s25 =	simm.s32 $0x1B8E;
	s24 =	sld [smem:$0x3FFE];
	[sflag:s23] =	ssyncadd.s32 $0xFFFFFFFF  }
0xad: {  	s26 =	simm.s32 $execute0_lowered;
	[smem:$0x3FD2] =	sst s25  }
0xae: {  	s9 =	sshll.u32 s26, $0x1;
	_ =	strace $0x80000046;
	[dreg:$0x1] =	wrdreg $0xFFFFFFFF  }
0xaf: {  	s28 =	simm.s32 $_size_execute0_lowered;
	s7 =	sadd.s32 s7, s9;
	[dreg:$0x0] =	wrdreg $0x0  }
0xb0: {  	s9 =	sshll.u32 s28, $0x1;
	[dreg:$0x2] =	wrdreg s7  }
0xb1: {  	[dreg:$0x3] =	wrdreg s9  }
0xb2: {  	[dreg:$0x4] =	wrdreg $0xC0  }
0xb3: {  	_ =	task [dreg:s11], $0x5FFFF  }
0xb4: {  	[dreg:$0x1] =	wrdreg $0xFFFFFFFF  }
0xb5: {  	[dreg:$0x0] =	wrdreg $0x60  }
0xb6: {  	[dreg:$0x2] =	wrdreg s24  }
0xb7: {  	[dreg:$0x3] =	wrdreg s15  }
0xb8: {  	[dreg:$0x4] =	wrdreg s4  }
0xb9: {  	[dreg:$0x5] =	wrdreg s5  }
0xba: {  	[dreg:$0x6] =	wrdreg s16  }
0xbb: {  	[dreg:$0x7] =	wrdreg s17  }
0xbc: {  	[dreg:$0x8] =	wrdreg $0xC4800  }
0xbd: {  	[dreg:$0x9] =	wrdreg $0x9  }
0xbe: {  	_ =	task.clear_ibuf [dreg:s11], $0xAFFFF;
	_ =	strace $0x90000046  }
0xbf: {  	s29 =	simm.s32 $0x9;
	_ =	strace $0x80000048  }
0xc0: {  	_ =	swait.ge [sflag:s29], $0x1  }
0xc1: {  	[sflag:s29] =	ssyncadd.s32 $0xFFFFFFFF  }
0xc2: {  	_ =	strace $0x90000048  }
0xc3: {  	_ =	sfence  }
0xc4: {  	s30 =	sld [smem:$0x0];
	_ =	sdelay $0x2  }
0xc5: {  	s31 =	sshll.u32 s1, $0xD;
	s1 =	sshrl.u32 s1, $0x2  }
0xc6: {  	s3 =	sand.u32 $0x4000, s31;
	s1 =	sadd.s32 s1, s30  }
0xc7: {  	s0 =	sor.u32 s3, s0;
	s1 =	sshll.u32 s1, $0x11  }
0xc8: {  	s0 =	sor.u32 s1, s0  }
0xc9: {  	s0 =	sadd.s32 $0x8F2B, s0  }
0xca: {  	[sflag:s0] =	ssyncadd.remote.s32 $0x1  }
0xcb: {  	_ =	sfence.sel $0xFFFF  }
0xcc: {  	[dreg:$0x0] =	wrdreg $0xFFFFFFFF;
	(pc) =	sbr.abs _section_cstart, $3  }
0xcd: {  	[dreg:$0x1] =	wrdreg $0xFFFFFFFF  }
0xce: {  	_ =	task.clear_ibuf [dreg:s11], $0x2FFFF;
	_ =	strace $0x9FFFFFFF  }
0xcf: {  	(tm) =	ssettm $0x7FFFFFFF  }
tec
execute0_lowered:
.L_overlay_start_1:
0x0: {  	(tag) =	ssettag $0x1  }
0x1: {  	s1 =	rddreg [dreg:$0x0]  }
0x2: {  	s0 =	rddreg [dreg:$0x1]  }
0x3: {  	s3 =	rddreg [dreg:$0x2]  }
0x4: {  	s2 =	rddreg [dreg:$0x3]  }
0x5: {  	s12 =	rddreg [dreg:$0x4]  }
0x6: {  	s4 =	rddreg [dreg:$0x5]  }
0x7: {  	s13 =	rddreg [dreg:$0x6];
	s5 =	srdreg.scid;
	s6 =	simm.s32 $0x0  }
0x8: {  	s10 =	stileid.u32;
	s29 =	simm.s32 $0x2;
	s30 =	simm.s32 $0x100  }
0x9: {  	s5 =	sand.u32 $0x1, s5;
	[smem:$0x7FF] =	sst s6;
	s9 =	sshll.u32 s10, $0x5  }
0xa: {  	s24 =	sadd.s32 $0x100, s0;
	s25 =	sadd.s32 $0x200, s0;
	s26 =	sadd.s32 $0x300, s0  }
0xb: {  	s14 =	sadd.s32 $0x500, s0;
	s15 =	sadd.s32 $0x600, s0;
	s16 =	sadd.s32 $0x700, s0  }
0xc: {  	s17 =	sadd.s32 $0x800, s0;
	s18 =	sadd.s32 $0x900, s0;
	s19 =	sadd.s32 $0xA00, s0  }
0xd: {  	s31 =	sshll.u32 s10, $0xB;
	s20 =	sshll.u32 s10, $0x6;
	p2 =	slt.u32 s10, $0xE  }
0xe: {  	p3 =	seq.s32 s10, $0xE;
	s21 =	sadd.s32 $0xC00, s0;
	s22 =	sadd.s32 $0xD00, s0  }
0xf: {  	s28 =	sadd.s32 $0xF00, s0;
	_ =	strace $0x80000047;
	[dreg:$0x8] =	wrdreg s24  }
0x10: {  	s7 =	ssub.s32 $0x2, s5;
	s1 =	sadd.s32 s9, s1;
	[dreg:$0x9] =	wrdreg s25  }
0x11: {  	s9 =	sadd.s32 s9, s13;
	[dreg:$0xa] =	wrdreg s26;
	s13 =	sadd.s32 $0x400, s0  }
0x12: {  	p0 =	seq.s32 s5, $0x1;
	p1 =	sne.s32 s5, $0x0;
	s26 =	sadd.s32 $0xE00, s0  }
0x13: {  	s5 =	simm.s32 $0x0;
	s8 =	sshrl.u32 s7, $0x1;
	p2 =	por !p2, !p0  }
0x14: {  	p3 =	por !p3, !p0;
	p0 =	sne.s32 s10, $0x0;
	s11 =	ssub.s32 s7, s8  }
.Ltmp0:
0x15: {  	s8 =	sadd.s32 $0x800, s1;
	s1 =	sor.u32 s20, s31;
	(pc) =	sbr.rel .LBB2_1-.Ltmp0, $4  }
0x16: {  	v0 =	vlaneseq.u32;
	s7 =	sshll.u32 s10, $0x8;
	s20 =	sadd.s32 $0xB00, s0;
	s1 =	sand.u32 $0x7040, s1  }
0x17: {  	v1 =	vmul.u32 $0xFFFFFFFF, v0;
	p2 =	por !p2, !p2;
	p3 =	por !p3, !p3;
	s1 =	sadd.s32 $0x1000, s1  }
0x18: {  	vm0 =	vmmov $0xffff;
	v2 =	vand.u32 $0x7, v0;
	v3 =	vshrl.u32 v0, $0x3;
	s25 =	smax.u32 s11, $0x1;
	p3 =	por !p3, p2;
	s23 =	sadd.s32 s3, s1  }
0x19: {  	v3 =	vmul.u32 $0x8, v3;
	v1 =	vadd.s32 $0xF, v1;
	vm1 =	vmmov @!p3 $0xff;
	s24 =	sadd.s32 s12, s1;
	s1 =	simm.s32 $0x400;
	s3 =	simm.s32 $0x1  }
.LBB2_7:
0x1a: {  	v4 =	vld [tilespmem:s31+$0x180]  }
0x1b: {  	v5 =	vld [tilespmem:s31+$0x190];
	_ =	sdelay $0x3  }
0x1c: {  	v4 =	vperm.xlane v4, v1  }
0x1d: {  	v6, v7, _ =	vpop (xrf1);
	v5 =	vperm.xlane v5, v1  }
0x1e: {  	vm2 =	vge.f32 v6, v4  }
0x1f: {  	v4 =	vsel vm2, v6, v4;
	v5 =	vsel vm2, v7, v5  }
0x20: {  	(xrf1) =	vsort.dscd.msk.f32 $0xffff, v4, v5;
	_ =	sdelay $0xd  }
0x21: {  	v4, v5, _ =	vpop (xrf1)  }
0x22: {  	[tilespmem:$0x380] =	vst v5  }
0x23: {  	v4 =	vld.msk [tilespmem:$0x380], $0xff;
	_ =	sdelay $0x4  }
0x24: {  	v5 =	vshll.u32 v4, $0x5  }
0x25: {  	v4 =	vand.u32 $0x7, v4;
	v5 =	vand.u32 $0xFFFFFF00, v5  }
0x26: {  	v4 =	vor.u32 v4, v5  }
0x27: {  	v4 =	vperm.xlane v4, v2;
	_ =	sdelay $0x1  }
0x28: {  	v4 =	vadd.s32 v3, v4;
	_ =	sdelay $0x4  }
0x29: {  	[tilespmem:s1], [sflag:$0x1] =	stream.indirect_vreg.gather [hbm4b:s0+s6], $0x80, v4, vm0, $0xb8;
	[tilespmem:$0xC4A0] =	vst v63  }
0x2a: {  	s10 =	rddreg [dreg:$0x8];
	s11 =	simm.s32 $0xC00  }
0x2b: {  	[tilespmem:s11], [sflag:$0x1] =	stream.indirect_vreg.gather [hbm4b:s10+s6], $0x80, v4, vm0, $0xb8;
	[tilespmem:$0xC4A0] =	vst v63  }
0x2c: {  	s12 =	rddreg [dreg:$0x9];
	s31 =	simm.s32 $0x1400  }
0x2d: {  	[tilespmem:s31], [sflag:$0x1] =	stream.indirect_vreg.gather [hbm4b:s12+s6], $0x80, v4, vm0, $0xb8;
	[tilespmem:$0xC4A0] =	vst v63  }
0x2e: {  	s11 =	rddreg [dreg:$0xa];
	s12 =	simm.s32 $0x1C00  }
0x2f: {  	[tilespmem:s12], [sflag:$0x1] =	stream.indirect_vreg.gather [hbm4b:s11+s6], $0x80, v4, vm0, $0xb8;
	[tilespmem:$0xC4A0] =	vst v63  }
0x30: {  	s31 =	simm.s32 $0x2400  }
0x31: {  	[tilespmem:s31], [sflag:$0x1] =	stream.indirect_vreg.gather [hbm4b:s13+s6], $0x80, v4, vm0, $0xb8;
	[tilespmem:$0xC4A0] =	vst v63  }
0x32: {  	s11 =	simm.s32 $0x2C00  }
0x33: {  	[tilespmem:s11], [sflag:$0x1] =	stream.indirect_vreg.gather [hbm4b:s14+s6], $0x80, v4, vm0, $0xb8;
	[tilespmem:$0xC4A0] =	vst v63  }
0x34: {  	s12 =	simm.s32 $0x3400  }
0x35: {  	[tilespmem:s12], [sflag:$0x1] =	stream.indirect_vreg.gather [hbm4b:s15+s6], $0x80, v4, vm0, $0xb8;
	[tilespmem:$0xC4A0] =	vst v63  }
0x36: {  	s31 =	simm.s32 $0x3C00  }
0x37: {  	[tilespmem:s31], [sflag:$0x1] =	stream.indirect_vreg.gather [hbm4b:s16+s6], $0x80, v4, vm0, $0xb8;
	[tilespmem:$0xC4A0] =	vst v63  }
0x38: {  	s11 =	simm.s32 $0x4400  }
0x39: {  	[tilespmem:s11], [sflag:$0x1] =	stream.indirect_vreg.gather [hbm4b:s17+s6], $0x80, v4, vm0, $0xb8;
	[tilespmem:$0xC4A0] =	vst v63  }
0x3a: {  	s12 =	simm.s32 $0x4C00  }
0x3b: {  	[tilespmem:s12], [sflag:$0x1] =	stream.indirect_vreg.gather [hbm4b:s18+s6], $0x80, v4, vm0, $0xb8;
	[tilespmem:$0xC4A0] =	vst v63  }
0x3c: {  	s31 =	simm.s32 $0x5400  }
0x3d: {  	[tilespmem:s31], [sflag:$0x1] =	stream.indirect_vreg.gather [hbm4b:s19+s6], $0x80, v4, vm0, $0xb8;
	[tilespmem:$0xC4A0] =	vst v63  }
0x3e: {  	s11 =	simm.s32 $0x5C00  }
0x3f: {  	[tilespmem:s11], [sflag:$0x1] =	stream.indirect_vreg.gather [hbm4b:s20+s6], $0x80, v4, vm0, $0xb8;
	[tilespmem:$0xC4A0] =	vst v63  }
0x40: {  	s12 =	simm.s32 $0x6400  }
0x41: {  	[tilespmem:s12], [sflag:$0x1] =	stream.indirect_vreg.gather [hbm4b:s21+s6], $0x80, v4, vm0, $0xb8;
	[tilespmem:$0xC4A0] =	vst v63  }
0x42: {  	s31 =	simm.s32 $0x6C00  }
0x43: {  	[tilespmem:s31], [sflag:$0x1] =	stream.indirect_vreg.gather [hbm4b:s22+s6], $0x80, v4, vm0, $0xb8;
	[tilespmem:$0xC4A0] =	vst v63  }
0x44: {  	s11 =	simm.s32 $0x7400  }
0x45: {  	[tilespmem:s11], [sflag:$0x1] =	stream.indirect_vreg.gather [hbm4b:s26+s6], $0x80, v4, vm0, $0xb8;
	[tilespmem:$0xC4A0] =	vst v63  }
0x46: {  	s12 =	simm.s32 $0x7C00  }
0x47: {  	[tilespmem:s12], [sflag:$0x1] =	stream.indirect_vreg.gather [hbm4b:s28+s6], $0x80, v4, vm0, $0xb8;
	[tilespmem:$0xC4A0] =	vst v63  }
0x48: {  	_ =	swait.ge [sflag:s3], $0x8000  }
0x49: {  	[sflag:s3] =	ssyncset.done $0x0  }
0x4a: {  	[sflag:s3] =	ssyncadd.s32 $0xFFFF8000  }
0x4b: {  	s31 =	rddreg [dreg:$0x4]  }
0x4c: {  	[hbm4b:s31+s6] =	stream.linear.scatter [tilespmem:s1], [sflag:$0x2], $0x8000, $0x38;
	[tilespmem:$0xC4A0] =	vst v63  }
0x4d: {  	_ =	swait.ge [sflag:s29], $0x8000  }
0x4e: {  	[sflag:s29] =	ssyncset.done $0x0  }
0x4f: {  	[sflag:s29] =	ssyncadd.s32 $0xFFFF8000  }
.LBB2_8:
0x50: {  	s10 =	simm.s32 @!p3 $0x0;
	s11 =	simm.s32 @!p3 $0x8400;
	s31 =	simm.s32 @!p3 $0x2  }
0x51: {  	[tilespmem:s11], [sflag:$0x2] =	stream.linear.gather @!p3 [hbm4b:s2+s10], $0x80, $0x38;
	[tilespmem:$0xC4A0] =	vst v63  }
0x52: {  	_ =	swait.ge @!p3 [sflag:s31], $0x80  }
0x53: {  	[sflag:s31] =	ssyncset.done @!p3 $0x0  }
0x54: {  	[sflag:s31] =	ssyncadd.s32 @!p3 $0xFFFFFF80  }
0x55: {  	v4 =	vld @!p3 [tilespmem:$0x8400];
	_ =	sdelay $0x4  }
0x56: {  	v4 =	vsel @!p3 vm1, $0x3F800000, v4  }
0x57: {  	[tilespmem:$0x8400] =	vst @!p3 v4  }
0x58: {  	[hbm4b:s4+s10] =	stream.linear.scatter @!p3 [tilespmem:s11], [sflag:$0x2], $0x80, $0x38;
	[tilespmem:$0xC4A0] =	vst v63  }
0x59: {  	_ =	swait.ge @!p3 [sflag:s31], $0x80  }
0x5a: {  	s12 =	simm.s32 @p2 $0x2;
	s10 =	simm.s32 @p2 $0x200;
	[sflag:s31] =	ssyncset.done @!p3 $0x0  }
0x5b: {  	s11 =	simm.s32 @p2 $0x400;
	[sflag:s31] =	ssyncadd.s32 @!p3 $0xFFFFFF80;
	s31 =	simm.s32 @p2 $0x8480  }
0x5c: {  	[tilespmem:s31], [sflag:$0x2] =	stream.strided.gather @p2 [hbm4b:s23+s10], $0x4000, s11, s10, $0x38;
	[tilespmem:$0xC4A0] =	vst v63  }
0x5d: {  	s5 =	sadd.s32 $0x1, s5;
	_ =	swait.ge @p2 [sflag:s12], $0x4000  }
0x5e: {  	p4 =	sne.s32 s5, s25;
	[sflag:s12] =	ssyncset.done @p2 $0x0  }
.Ltmp1:
0x5f: {  	[sflag:s12] =	ssyncadd.s32 @p2 $0xFFFFC000;
	(pc) =	sbr.rel @!p4 .LBB2_9-.Ltmp1, $4  }
0x60: {  	[hbm4b:s24+s10] =	stream.strided.scatter @p2 [tilespmem:s31], [sflag:$0x2], $0x4000, s11, s10, $0x38;
	[tilespmem:$0xC4A0] =	vst v63  }
0x61: {  	_ =	swait.ge @p2 [sflag:s12], $0x4000  }
0x62: {  	[sflag:s12] =	ssyncset.done @p2 $0x0  }
0x63: {  	[sflag:s12] =	ssyncadd.s32 @p2 $0xFFFFC000  }
.LBB2_1:
.Ltmp2:
0x64: {  	(pc) =	sbr.rel @p1 .LBB2_8-.Ltmp2, $1  }
0x65: {  	_ =	sdelay $0x3  }
0x66: {  	s10 =	simm.s32 $0x0  }
0x67: {  	[tilespmem:s10], [sflag:$0x2] =	stream.linear.gather [hbm4b:s8+s10], $0x100, $0x38;
	[tilespmem:$0xC4A0] =	vst v63  }
0x68: {  	_ =	swait.ge [sflag:s29], $0x100  }
0x69: {  	[sflag:s29] =	ssyncset.done $0x0  }
0x6a: {  	s11 =	simm.s32 $0x0;
	[sflag:s29] =	ssyncadd.s32 $0xFFFFFF00  }
0x6b: {  	v4 =	vld [tilespmem:s11+$0x0];
	_ =	sdelay $0x3  }
0x6c: {  	v5 =	vor.u32 s7, v0  }
0x6d: {  	(xrf1) =	vsort.dscd.msk.f32 $0xffff, v4, v5;
	_ =	sdelay $0xa  }
0x6e: {  	s12 =	simm.s32 $0x10  }
0x6f: {  	v4 =	vld [tilespmem:s12+$0x0];
	_ =	sdelay $0x1  }
0x70: {  	v5, v6, _ =	vpop (xrf1)  }
0x71: {  	s31 =	sadd.s32 $0x10, s7;
	v5 =	vperm.xlane v5, v1  }
0x72: {  	v7 =	vimm.f32 $-Inf;
	v9 =	vor.u32 s31, v0;
	v6 =	vperm.xlane v6, v1  }
0x73: {  	v8 =	vimm.s32 $0x0;
	(xrf1) =	vsort.dscd.msk.f32 $0xffff, v4, v9;
	vm2 =	vge.f32 v7, v5  }
0x74: {  	v4 =	vsel vm2, v7, v5;
	v5 =	vsel vm2, v8, v6  }
0x75: {  	(xrf1) =	vsort.dscd.msk.f32 $0xffff, v4, v5;
	_ =	sdelay $0x8  }
0x76: {  	s10 =	simm.s32 $0xC0;
	s11 =	simm.s32 $0x20  }
.LBB2_3:
0x77: {  	p4 =	sne.s32 s10, $0x3C0;
	v4 =	vld [tilespmem:s11+$0x0];
	_ =	sdelay $0x1  }
0x78: {  	v5, v6, _ =	vpop (xrf1)  }
0x79: {  	s31 =	sadd.s32 $0x10, s31;
	v5 =	vperm.xlane v5, v1  }
0x7a: {  	v7 =	vor.u32 s31, v0;
	v6 =	vperm.xlane v6, v1;
	v8, v9, _ =	vpop (xrf1)  }
0x7b: {  	(xrf1) =	vsort.dscd.msk.f32 $0xffff, v4, v7;
	vm2 =	vge.f32 v8, v5  }
0x7c: {  	v4 =	vsel vm2, v8, v5;
	v5 =	vsel vm2, v9, v6  }
0x7d: {  	(xrf1) =	vsort.dscd.msk.f32 $0xffff, v4, v5;
	_ =	sdelay $0x4  }
.Ltmp3:
0x7e: {  	(pc) =	sbr.rel @p4 .LBB2_3-.Ltmp3, $2  }
0x7f: {  	_ =	sdelay $0x2  }
0x80: {  	s11 =	sshra.s32 s10, $0x2;
	s10 =	sadd.s32 $0x40, s10  }
0x81: {  	v4 =	vld [tilespmem:s11+$0x0];
	_ =	sdelay $0x1  }
0x82: {  	v5, v6, _ =	vpop (xrf1)  }
0x83: {  	s10 =	sadd.s32 $0x10, s31;
	v5 =	vperm.xlane v5, v1  }
0x84: {  	v7 =	vor.u32 s10, v0;
	v6 =	vperm.xlane v6, v1;
	v8, v9, _ =	vpop (xrf1)  }
0x85: {  	(xrf1) =	vsort.dscd.msk.f32 $0xffff, v4, v7;
	vm2 =	vge.f32 v8, v5  }
0x86: {  	v4 =	vsel vm2, v8, v5;
	v5 =	vsel vm2, v9, v6  }
0x87: {  	(xrf1) =	vsort.dscd.msk.f32 $0xffff, v4, v5;
	_ =	sdelay $0xb  }
0x88: {  	v4, v5, _ =	vpop (xrf1)  }
0x89: {  	v4 =	vperm.xlane v4, v1  }
0x8a: {  	v5 =	vperm.xlane v5, v1;
	v63, v62, _ =	vpop (xrf1)  }
0x8b: {  	vm2 =	vge.f32 v63, v4  }
0x8c: {  	v4 =	vsel vm2, v63, v4;
	v5 =	vsel vm2, v62, v5  }
0x8d: {  	(xrf1) =	vsort.dscd.msk.f32 $0xffff, v4, v5;
	_ =	sdelay $0xd  }
0x8e: {  	v4, v5, _ =	vpop (xrf1)  }
0x8f: {  	[tilespmem:$0x100] =	vst v4  }
0x90: {  	[tilespmem:$0x110] =	vst v5  }
0x91: {  	[spmem:s9] =	stream.linear.scatter [tilespmem:s30], [sflag:$0x2], $0x20, $0x38;
	[tilespmem:$0xC4A0] =	vst v63  }
.Ltmp4:
0x92: {  	_ =	swait.ge [sflag:s29], $0x20;
	(pc) =	sbr.rel @p0 .LBB2_8-.Ltmp4, $3  }
0x93: {  	[sflag:s29] =	ssyncset.done $0x0  }
0x94: {  	[sflag:s29] =	ssyncadd.s32 $0xFFFFFFE0  }
0x95: {  	[bflag:$0x0] =	sbarrier.arrive $0xFFFF;
	_ =	sdelay $0x1  }
0x96: {  	s10 =	rddreg [dreg:$0x6];
	s11 =	simm.s32 $0x180  }
0x97: {  	[tilespmem:s11], [sflag:$0x2] =	stream.linear.gather [spmem:s10], $0x200, $0x38;
	[tilespmem:$0xC4A0] =	vst v63  }
0x98: {  	_ =	swait.ge [sflag:s29], $0x200  }
0x99: {  	[sflag:s29] =	ssyncset.done $0x0  }
0x9a: {  	s12 =	simm.s32 $0x0;
	[sflag:s29] =	ssyncadd.s32 $0xFFFFFE00  }
0x9b: {  	v4 =	vld [tilespmem:s12+$0x180]  }
0x9c: {  	v5 =	vld [tilespmem:s12+$0x190];
	_ =	sdelay $0x3  }
0x9d: {  	v4 =	vperm.xlane v4, v1  }
0x9e: {  	v6 =	vimm.f32 $-Inf;
	v5 =	vperm.xlane v5, v1  }
0x9f: {  	v7 =	vimm.s32 $0x0;
	vm2 =	vge.f32 v6, v4  }
0xa0: {  	v4 =	vsel vm2, v6, v4;
	v5 =	vsel vm2, v7, v5  }
0xa1: {  	(xrf1) =	vsort.dscd.msk.f32 $0xffff, v4, v5;
	_ =	sdelay $0x6  }
0xa2: {  	s31 =	simm.s32 $0x20;
	s10 =	simm.s32 $0x100  }
.LBB2_6:
0xa3: {  	p4 =	sne.s32 s10, $0x780;
	v4 =	vld [tilespmem:s31+$0x180]  }
0xa4: {  	v5 =	vld [tilespmem:s31+$0x190];
	_ =	sdelay $0x3  }
0xa5: {  	v4 =	vperm.xlane v4, v1  }
0xa6: {  	v5 =	vperm.xlane v5, v1;
	v6, v7, _ =	vpop (xrf1)  }
0xa7: {  	vm2 =	vge.f32 v6, v4  }
0xa8: {  	v4 =	vsel vm2, v6, v4;
	v5 =	vsel vm2, v7, v5  }
0xa9: {  	(xrf1) =	vsort.dscd.msk.f32 $0xffff, v4, v5;
	_ =	sdelay $0x2  }
.Ltmp5:
0xaa: {  	(pc) =	sbr.rel @p4 .LBB2_6-.Ltmp5, $2  }
0xab: {  	_ =	sdelay $0x2  }
0xac: {  	s31 =	sshra.s32 s10, $0x2;
	s10 =	sadd.s32 $0x80, s10  }
.Ltmp6:
0xad: {  	_ = 	snop;
	(pc) =	sbr.rel .LBB2_7-.Ltmp6, $1  }
0xae: {  	_ =	sdelay $0x3  }
.LBB2_9:
0xaf: {  	_ =	sfence.sel $0x180000  }
0xb0: {  	[bflag:$0x0] =	sbarrier.arrive $0xFFFF  }
0xb1: {  	_ =	strace $0x90000047  }
0xb2: {  	[bflag:$0x2] =	sbarrier.arrive $0xFFFF  }
0xb3: {  	s0 =	rddreg [dreg:$0x7]  }
0xb4: {  	s0 =	sadd.s32 @!p0 $0x100000, s0  }
0xb5: {  	[sflag:s0] =	ssyncadd.tile.s32 @!p0 $0x1;
	_ =	shalt  }
.Lfunc_end2:
_tile_overlayer_lowered:
.L_overlay_start_2:
0xb6: {  	(tag) =	ssettag $0x2  }
0xb7: {  	s0 =	rddreg [dreg:$0x0];
	s2 =	stileid.u32  }
0xb8: {  	s1 =	rddreg [dreg:$0x1];
	p0 =	sne.s32 s2, $0x0  }
0xb9: {  	s3 =	rddreg [dreg:$0x2];
	[bflag:$0x3] =	sbarrier.arrive $0xFFFF;
	s2 =	simm.s32 @!p0 $0x1C02  }
0xba: {  	[timem:s3], [sflag:s2] =	dma.local @!p0 [hbm:s0], s1  }
0xbb: {  	s0 =	simm.s32 @!p0 $0x2  }
0xbc: {  	_ =	swait.ge @!p0 [sflag:s0], s1  }
0xbd: {  	s1 =	ssub.s32 @!p0 $0x0, s1;
	[sflag:s0] =	ssyncset.done @!p0 $0x0  }
0xbe: {  	[sflag:s0] =	ssyncadd.s32 @!p0 s1  }
0xbf: {  	[bflag:$0x3] =	sbarrier.arrive $0xFFFF  }
0xc0: {  	_ =	shalt  }

</sc_bundles>
